<compile_context>
chip_gen: v7x
topology: tpu7x:2x2x1
jax: 0.10.2.dev20260603
libtpu: 0.0.44.dev20260713+nightly
codegen_flags: <defaults>
</compile_context>

<pallas_src>
import functools

import jax
import jax.numpy as jnp
from jax import lax
from jax.experimental import pallas as pl
from jax.experimental.pallas import tpu as pltpu
from jax.experimental.pallas import tpu_sc as plsc

NUM_CORES = 2
NUM_SUBCORES = 16
NW = NUM_CORES * NUM_SUBCORES

CHUNK = 800
NBUF = 2
PAD_H = 128


def _gather_kernel(idx_hbm, table_hbm, out_hbm, idx_v, *bufs_and_sems):
    rows = bufs_and_sems[:NBUF]
    sg = bufs_and_sems[NBUF:2 * NBUF]
    so = bufs_and_sems[2 * NBUF:3 * NBUF]

    n_chunks_total = idx_hbm.shape[0]
    n_chunks = n_chunks_total // NW
    wid = lax.axis_index("s") * NUM_CORES + lax.axis_index("c")
    base = wid * n_chunks

    pltpu.sync_copy(idx_hbm.at[pl.ds(base, n_chunks)], idx_v)

    def fire_gather(i, b):
        pltpu.async_copy(table_hbm.at[idx_v.at[i]], rows[b], sg[b])

    def wait_gather(b):
        pltpu.make_async_copy(table_hbm.at[idx_v.at[0]], rows[b], sg[b]).wait()

    def fire_out(i, b):
        pltpu.async_copy(
            rows[b], out_hbm.at[base + i, :, pl.ds(0, 64)], so[b]
        )

    def wait_out(b):
        pltpu.make_async_copy(
            rows[b], out_hbm.at[base, :, pl.ds(0, 64)], so[b]
        ).wait()

    for b in range(NBUF):
        fire_gather(b, b)

    @pl.loop(0, n_chunks // NBUF)
    def _group(g):
        i0 = g * NBUF
        for b in range(NBUF):
            i = i0 + b
            wait_gather(b)
            fire_out(i, b)

            @pl.when(i + NBUF < n_chunks)
            def _():
                wait_out(b)
                fire_gather(i + NBUF, b)

    for b in range(NBUF):
        wait_out(b)


@functools.partial(jax.jit, static_argnums=(2,))
def _gather(idx2d, weight, total):
    mesh = plsc.VectorSubcoreMesh(
        core_axis_name="c",
        subcore_axis_name="s",
        num_cores=NUM_CORES,
        num_subcores=NUM_SUBCORES,
    )
    hidden = weight.shape[1]
    n_chunks_total = idx2d.shape[0]
    n_chunks = n_chunks_total // NW
    scratch = [pltpu.VMEM((n_chunks, CHUNK), jnp.int32)]
    scratch += [pltpu.VMEM((CHUNK, hidden), jnp.float32) for _ in range(NBUF)]
    scratch += [pltpu.SemaphoreType.DMA for _ in range(2 * NBUF)]
    return pl.kernel(
        _gather_kernel,
        out_type=jax.ShapeDtypeStruct(
            (n_chunks_total, CHUNK, PAD_H), weight.dtype
        ),
        mesh=mesh,
        compiler_params=pltpu.CompilerParams(use_tc_tiling_on_sc=False),
        scratch_types=scratch,
    )(idx2d, weight)


def kernel(inputs, weight):
    batch, hist = inputs.shape
    total = batch * hist
    idx2d = inputs.reshape(total // CHUNK, CHUNK).astype(jnp.int32)
    out = _gather(idx2d, weight, total)
    return out.reshape(batch, hist, PAD_H)[:, :, : weight.shape[1]]

# --- scband reference (transcript-rebuilt; emitter-appended) ---
"""Pipeline reference for scband-flax-electra-embedding-12841952215284 (READ-ONLY COPY).

The authoritative reference and input builder live on the scoring server;
editing this copy changes nothing except your own understanding.
"""

import jax, jax.numpy as jnp
import numpy as np

VOCAB_SIZE = 1000000
HIDDEN_SIZE = 64
BATCH = 4096
HIST_LEN = 200

def setup_inputs(seed: int = 0) -> dict:
    key = jax.random.key(seed)
    k_idx, k_w = jax.random.split(key)
    inputs = jax.random.randint(k_idx, (BATCH, HIST_LEN), 0, VOCAB_SIZE)
    # learned embedding table, init per emb_init = normal(stddev=0.2)
    weight = jax.random.normal(k_w, (VOCAB_SIZE, HIDDEN_SIZE), dtype=jnp.float32) * 0.2
    return {"inputs": inputs, "weight": weight}

def reference(inputs, weight):
    # Faithful translation of FlaxElectraEmbedding.__call__
    return jnp.take(weight, inputs, axis=0)

if __name__ == "__main__":
    import jax
    _d = setup_inputs()
    print(jax.jit(kernel)(*tuple(_d.values())))

</pallas_src>

<mosaic_0001>
#map = affine_map<(d0, d1) -> (0, 0)>
#map1 = affine_map<(d0, d1) -> (0, 0, 0)>
module attributes {stable_mosaic.version = 14 : i64} {
  func.func @_gather_kernel(%arg0: i32, %arg1: i32, %arg2: memref<1024x800xi32, #tpu.memory_space<hbm>>, %arg3: memref<1000000x64xf32, #tpu.memory_space<hbm>>, %arg4: memref<1024x800x128xf32, #tpu.memory_space<hbm>>, %arg5: memref<32x800xi32, #tpu.memory_space<vmem>>, %arg6: memref<800x64xf32, #tpu.memory_space<vmem>>, %arg7: memref<800x64xf32, #tpu.memory_space<vmem>>, %arg8: memref<!tpu.dma_semaphore, #tpu.memory_space<semaphore_mem>>, %arg9: memref<!tpu.dma_semaphore, #tpu.memory_space<semaphore_mem>>, %arg10: memref<!tpu.dma_semaphore, #tpu.memory_space<semaphore_mem>>, %arg11: memref<!tpu.dma_semaphore, #tpu.memory_space<semaphore_mem>>) attributes {dimension_semantics = [#tpu.dimension_semantics<core_parallel>, #tpu.dimension_semantics<subcore_parallel>], iteration_bounds = array<i64: 2, 16>, scalar_prefetch = 0 : i64, scratch_operands = 7 : i64, tpu.core_type = #tpu.core_type<sc_vector_subcore>, window_params = [{transform_indices = #map}, {transform_indices = #map}, {transform_indices = #map1}]} {
    %mul3A = arith.constant 2 : i32
    %mul3A_0 = arith.muli %arg1, %mul3A : i32
    %add3A = arith.addi %mul3A_0, %arg0 : i32
    %mul3A_1 = arith.constant 32 : i32
    %mul3A_2 = arith.muli %add3A, %mul3A_1 : i32
    "tpu.region"() ({
      %run_scoped3A = tpu.sem_alloc : memref<!tpu.dma_semaphore, #tpu.memory_space<semaphore_mem>>
      %dma_start3A_35 = arith.constant 0 : i32
      %dma_start3A_36 = tpu.memref_slice %arg2[%mul3A_2, %dma_start3A_35] : memref<1024x800xi32, #tpu.memory_space<hbm>> -> memref<32x800xi32, #tpu.memory_space<hbm>>
      %dma_start3A_37 = arith.constant 0 : i32
      %dma_start3A_38 = tpu.memref_slice %arg2[%mul3A_2, %dma_start3A_37] : memref<1024x800xi32, #tpu.memory_space<hbm>> -> memref<32x800xi32, #tpu.memory_space<hbm>>
      tpu.enqueue_dma source(%dma_start3A_38 : memref<32x800xi32, #tpu.memory_space<hbm>>) target(%arg5 : memref<32x800xi32, #tpu.memory_space<vmem>>) target_semaphore(%run_scoped3A : memref<!tpu.dma_semaphore, #tpu.memory_space<semaphore_mem>>)
      %dma_wait3A_39 = arith.constant 0 : i32
      %dma_wait3A_40 = tpu.memref_slice %arg2[%mul3A_2, %dma_wait3A_39] : memref<1024x800xi32, #tpu.memory_space<hbm>> -> memref<32x800xi32, #tpu.memory_space<hbm>>
      %dma_wait3A_41 = arith.constant 0 : i32
      %dma_wait3A_42 = tpu.memref_slice %arg2[%mul3A_2, %dma_wait3A_41] : memref<1024x800xi32, #tpu.memory_space<hbm>> -> memref<32x800xi32, #tpu.memory_space<hbm>>
      tpu.wait_dma2 semaphore(%run_scoped3A : memref<!tpu.dma_semaphore, #tpu.memory_space<semaphore_mem>>) src(%dma_wait3A_42 : memref<32x800xi32, #tpu.memory_space<hbm>>) dst(%arg5 : memref<32x800xi32, #tpu.memory_space<vmem>>)
      tpu.yield
    }) : () -> ()
    %dma_start3A = arith.constant 0 : i32
    %dma_start3A_3 = arith.constant 0 : i32
    %dma_start3A_4 = tpu.memref_slice %arg5[%dma_start3A, %dma_start3A_3] : memref<32x800xi32, #tpu.memory_space<vmem>> -> memref<1x800xi32, #tpu.memory_space<vmem>>
    %dma_start3A_5 = tpu.memref_squeeze %dma_start3A_4 : memref<1x800xi32, #tpu.memory_space<vmem>> -> memref<800xi32, #tpu.memory_space<vmem>>
    %dma_start3A_6 = arith.constant 0 : i32
    %dma_start3A_7 = arith.constant 0 : i32
    %dma_start3A_8 = tpu.memref_slice %arg3[%dma_start3A_6, %dma_start3A_7] : memref<1000000x64xf32, #tpu.memory_space<hbm>> -> memref<1000000x64xf32, #tpu.memory_space<hbm>>
    tpu.enqueue_indirect_dma source(%dma_start3A_8 : memref<1000000x64xf32, #tpu.memory_space<hbm>>) target(%arg6 : memref<800x64xf32, #tpu.memory_space<vmem>>) offsets(%dma_start3A_5 : memref<800xi32, #tpu.memory_space<vmem>>) semaphore(%arg8 : memref<!tpu.dma_semaphore, #tpu.memory_space<semaphore_mem>>)
    %dma_start3A_9 = arith.constant 1 : i32
    %dma_start3A_10 = arith.constant 0 : i32
    %dma_start3A_11 = tpu.memref_slice %arg5[%dma_start3A_9, %dma_start3A_10] : memref<32x800xi32, #tpu.memory_space<vmem>> -> memref<1x800xi32, #tpu.memory_space<vmem>>
    %dma_start3A_12 = tpu.memref_squeeze %dma_start3A_11 : memref<1x800xi32, #tpu.memory_space<vmem>> -> memref<800xi32, #tpu.memory_space<vmem>>
    %dma_start3A_13 = arith.constant 0 : i32
    %dma_start3A_14 = arith.constant 0 : i32
    %dma_start3A_15 = tpu.memref_slice %arg3[%dma_start3A_13, %dma_start3A_14] : memref<1000000x64xf32, #tpu.memory_space<hbm>> -> memref<1000000x64xf32, #tpu.memory_space<hbm>>
    tpu.enqueue_indirect_dma source(%dma_start3A_15 : memref<1000000x64xf32, #tpu.memory_space<hbm>>) target(%arg7 : memref<800x64xf32, #tpu.memory_space<vmem>>) offsets(%dma_start3A_12 : memref<800xi32, #tpu.memory_space<vmem>>) semaphore(%arg9 : memref<!tpu.dma_semaphore, #tpu.memory_space<semaphore_mem>>)
    %scan3A = arith.constant 0 : i32
    %scan3A_16 = arith.constant 16 : i32
    %scan3A_17 = arith.addi %scan3A, %scan3A_16 : i32
    %scan3A_18 = arith.constant 1 : i32
    scf.for %scan3A_35 = %scan3A to %scan3A_17 step %scan3A_18  : i32 {
      %mul3A_36 = arith.constant 1 : i32
      %mul3A_37 = arith.muli %scan3A_35, %mul3A_36 : i32
      %add3A_38 = arith.constant 0 : i32
      %add3A_39 = arith.addi %add3A_38, %mul3A_37 : i32
      %mul3A_40 = arith.constant 2 : i32
      %mul3A_41 = arith.muli %add3A_39, %mul3A_40 : i32
      %add3A_42 = arith.constant 0 : i32
      %add3A_43 = arith.addi %mul3A_41, %add3A_42 : i32
      %dma_wait3A_44 = arith.constant 0 : i32
      %dma_wait3A_45 = arith.constant 0 : i32
      %dma_wait3A_46 = tpu.memref_slice %arg5[%dma_wait3A_44, %dma_wait3A_45] : memref<32x800xi32, #tpu.memory_space<vmem>> -> memref<1x800xi32, #tpu.memory_space<vmem>>
      %dma_wait3A_47 = tpu.memref_squeeze %dma_wait3A_46 : memref<1x800xi32, #tpu.memory_space<vmem>> -> memref<800xi32, #tpu.memory_space<vmem>>
      %dma_wait3A_48 = arith.constant 0 : i32
      %dma_wait3A_49 = arith.constant 0 : i32
      %dma_wait3A_50 = tpu.memref_slice %arg3[%dma_wait3A_48, %dma_wait3A_49] : memref<1000000x64xf32, #tpu.memory_space<hbm>> -> memref<1000000x64xf32, #tpu.memory_space<hbm>>
      tpu.wait_indirect_dma semaphore(%arg8 : memref<!tpu.dma_semaphore, #tpu.memory_space<semaphore_mem>>) src(%dma_wait3A_50 : memref<1000000x64xf32, #tpu.memory_space<hbm>>) dst(%arg6 : memref<800x64xf32, #tpu.memory_space<vmem>>)
      %add3A_51 = arith.addi %mul3A_2, %add3A_43 : i32
      %dma_start3A_52 = arith.constant 0 : i32
      %dma_start3A_53 = arith.constant 0 : i32
      %dma_start3A_54 = tpu.memref_slice %arg4[%add3A_51, %dma_start3A_52, %dma_start3A_53] : memref<1024x800x128xf32, #tpu.memory_space<hbm>> -> memref<1x800x64xf32, #tpu.memory_space<hbm>>
      %dma_start3A_55 = tpu.memref_squeeze %dma_start3A_54 : memref<1x800x64xf32, #tpu.memory_space<hbm>> -> memref<800x64xf32, #tpu.memory_space<hbm>>
      %dma_start3A_56 = arith.constant 0 : i32
      %dma_start3A_57 = arith.constant 0 : i32
      %dma_start3A_58 = tpu.memref_slice %arg4[%add3A_51, %dma_start3A_56, %dma_start3A_57] : memref<1024x800x128xf32, #tpu.memory_space<hbm>> -> memref<1x800x64xf32, #tpu.memory_space<hbm>>
      %dma_start3A_59 = tpu.memref_squeeze %dma_start3A_58 : memref<1x800x64xf32, #tpu.memory_space<hbm>> -> memref<800x64xf32, #tpu.memory_space<hbm>>
      tpu.enqueue_dma source(%arg6 : memref<800x64xf32, #tpu.memory_space<vmem>>) target(%dma_start3A_59 : memref<800x64xf32, #tpu.memory_space<hbm>>) target_semaphore(%arg10 : memref<!tpu.dma_semaphore, #tpu.memory_space<semaphore_mem>>)
      %add3A_60 = arith.constant 2 : i32
      %add3A_61 = arith.addi %add3A_43, %add3A_60 : i32
      %lt3A = arith.constant 32 : i32
      %lt3A_62 = arith.cmpi slt, %add3A_61, %lt3A : i32
      %convert_element_type3A = arith.extui %lt3A_62 : i1 to i32
      %cond3A = arith.constant 0 : i32
      %cond3A_63 = arith.cmpi ne, %convert_element_type3A, %cond3A : i32
      scf.if %cond3A_63 {
        %dma_wait3A_89 = arith.constant 0 : i32
        %dma_wait3A_90 = arith.constant 0 : i32
        %dma_wait3A_91 = tpu.memref_slice %arg4[%mul3A_2, %dma_wait3A_89, %dma_wait3A_90] : memref<1024x800x128xf32, #tpu.memory_space<hbm>> -> memref<1x800x64xf32, #tpu.memory_space<hbm>>
        %dma_wait3A_92 = tpu.memref_squeeze %dma_wait3A_91 : memref<1x800x64xf32, #tpu.memory_space<hbm>> -> memref<800x64xf32, #tpu.memory_space<hbm>>
        %dma_wait3A_93 = arith.constant 0 : i32
        %dma_wait3A_94 = arith.constant 0 : i32
        %dma_wait3A_95 = tpu.memref_slice %arg4[%mul3A_2, %dma_wait3A_93, %dma_wait3A_94] : memref<1024x800x128xf32, #tpu.memory_space<hbm>> -> memref<1x800x64xf32, #tpu.memory_space<hbm>>
        %dma_wait3A_96 = tpu.memref_squeeze %dma_wait3A_95 : memref<1x800x64xf32, #tpu.memory_space<hbm>> -> memref<800x64xf32, #tpu.memory_space<hbm>>
        tpu.wait_dma2 semaphore(%arg10 : memref<!tpu.dma_semaphore, #tpu.memory_space<semaphore_mem>>) src(%arg6 : memref<800x64xf32, #tpu.memory_space<vmem>>) dst(%dma_wait3A_96 : memref<800x64xf32, #tpu.memory_space<hbm>>)
        %add3A_97 = arith.constant 2 : i32
        %add3A_98 = arith.addi %add3A_43, %add3A_97 : i32
        %dma_start3A_99 = arith.constant 0 : i32
        %dma_start3A_100 = tpu.memref_slice %arg5[%add3A_98, %dma_start3A_99] : memref<32x800xi32, #tpu.memory_space<vmem>> -> memref<1x800xi32, #tpu.memory_space<vmem>>
        %dma_start3A_101 = tpu.memref_squeeze %dma_start3A_100 : memref<1x800xi32, #tpu.memory_space<vmem>> -> memref<800xi32, #tpu.memory_space<vmem>>
        %dma_start3A_102 = arith.constant 0 : i32
        %dma_start3A_103 = arith.constant 0 : i32
        %dma_start3A_104 = tpu.memref_slice %arg3[%dma_start3A_102, %dma_start3A_103] : memref<1000000x64xf32, #tpu.memory_space<hbm>> -> memref<1000000x64xf32, #tpu.memory_space<hbm>>
        tpu.enqueue_indirect_dma source(%dma_start3A_104 : memref<1000000x64xf32, #tpu.memory_space<hbm>>) target(%arg6 : memref<800x64xf32, #tpu.memory_space<vmem>>) offsets(%dma_start3A_101 : memref<800xi32, #tpu.memory_space<vmem>>) semaphore(%arg8 : memref<!tpu.dma_semaphore, #tpu.memory_space<semaphore_mem>>)
      } else {
      }
      %add3A_64 = arith.constant 1 : i32
      %add3A_65 = arith.addi %mul3A_41, %add3A_64 : i32
      %dma_wait3A_66 = arith.constant 0 : i32
      %dma_wait3A_67 = arith.constant 0 : i32
      %dma_wait3A_68 = tpu.memref_slice %arg5[%dma_wait3A_66, %dma_wait3A_67] : memref<32x800xi32, #tpu.memory_space<vmem>> -> memref<1x800xi32, #tpu.memory_space<vmem>>
      %dma_wait3A_69 = tpu.memref_squeeze %dma_wait3A_68 : memref<1x800xi32, #tpu.memory_space<vmem>> -> memref<800xi32, #tpu.memory_space<vmem>>
      %dma_wait3A_70 = arith.constant 0 : i32
      %dma_wait3A_71 = arith.constant 0 : i32
      %dma_wait3A_72 = tpu.memref_slice %arg3[%dma_wait3A_70, %dma_wait3A_71] : memref<1000000x64xf32, #tpu.memory_space<hbm>> -> memref<1000000x64xf32, #tpu.memory_space<hbm>>
      tpu.wait_indirect_dma semaphore(%arg9 : memref<!tpu.dma_semaphore, #tpu.memory_space<semaphore_mem>>) src(%dma_wait3A_72 : memref<1000000x64xf32, #tpu.memory_space<hbm>>) dst(%arg7 : memref<800x64xf32, #tpu.memory_space<vmem>>)
      %add3A_73 = arith.addi %mul3A_2, %add3A_65 : i32
      %dma_start3A_74 = arith.constant 0 : i32
      %dma_start3A_75 = arith.constant 0 : i32
      %dma_start3A_76 = tpu.memref_slice %arg4[%add3A_73, %dma_start3A_74, %dma_start3A_75] : memref<1024x800x128xf32, #tpu.memory_space<hbm>> -> memref<1x800x64xf32, #tpu.memory_space<hbm>>
      %dma_start3A_77 = tpu.memref_squeeze %dma_start3A_76 : memref<1x800x64xf32, #tpu.memory_space<hbm>> -> memref<800x64xf32, #tpu.memory_space<hbm>>
      %dma_start3A_78 = arith.constant 0 : i32
      %dma_start3A_79 = arith.constant 0 : i32
      %dma_start3A_80 = tpu.memref_slice %arg4[%add3A_73, %dma_start3A_78, %dma_start3A_79] : memref<1024x800x128xf32, #tpu.memory_space<hbm>> -> memref<1x800x64xf32, #tpu.memory_space<hbm>>
      %dma_start3A_81 = tpu.memref_squeeze %dma_start3A_80 : memref<1x800x64xf32, #tpu.memory_space<hbm>> -> memref<800x64xf32, #tpu.memory_space<hbm>>
      tpu.enqueue_dma source(%arg7 : memref<800x64xf32, #tpu.memory_space<vmem>>) target(%dma_start3A_81 : memref<800x64xf32, #tpu.memory_space<hbm>>) target_semaphore(%arg11 : memref<!tpu.dma_semaphore, #tpu.memory_space<semaphore_mem>>)
      %add3A_82 = arith.constant 2 : i32
      %add3A_83 = arith.addi %add3A_65, %add3A_82 : i32
      %lt3A_84 = arith.constant 32 : i32
      %lt3A_85 = arith.cmpi slt, %add3A_83, %lt3A_84 : i32
      %convert_element_type3A_86 = arith.extui %lt3A_85 : i1 to i32
      %cond3A_87 = arith.constant 0 : i32
      %cond3A_88 = arith.cmpi ne, %convert_element_type3A_86, %cond3A_87 : i32
      scf.if %cond3A_88 {
        %dma_wait3A_89 = arith.constant 0 : i32
        %dma_wait3A_90 = arith.constant 0 : i32
        %dma_wait3A_91 = tpu.memref_slice %arg4[%mul3A_2, %dma_wait3A_89, %dma_wait3A_90] : memref<1024x800x128xf32, #tpu.memory_space<hbm>> -> memref<1x800x64xf32, #tpu.memory_space<hbm>>
        %dma_wait3A_92 = tpu.memref_squeeze %dma_wait3A_91 : memref<1x800x64xf32, #tpu.memory_space<hbm>> -> memref<800x64xf32, #tpu.memory_space<hbm>>
        %dma_wait3A_93 = arith.constant 0 : i32
        %dma_wait3A_94 = arith.constant 0 : i32
        %dma_wait3A_95 = tpu.memref_slice %arg4[%mul3A_2, %dma_wait3A_93, %dma_wait3A_94] : memref<1024x800x128xf32, #tpu.memory_space<hbm>> -> memref<1x800x64xf32, #tpu.memory_space<hbm>>
        %dma_wait3A_96 = tpu.memref_squeeze %dma_wait3A_95 : memref<1x800x64xf32, #tpu.memory_space<hbm>> -> memref<800x64xf32, #tpu.memory_space<hbm>>
        tpu.wait_dma2 semaphore(%arg11 : memref<!tpu.dma_semaphore, #tpu.memory_space<semaphore_mem>>) src(%arg7 : memref<800x64xf32, #tpu.memory_space<vmem>>) dst(%dma_wait3A_96 : memref<800x64xf32, #tpu.memory_space<hbm>>)
        %add3A_97 = arith.constant 2 : i32
        %add3A_98 = arith.addi %add3A_65, %add3A_97 : i32
        %dma_start3A_99 = arith.constant 0 : i32
        %dma_start3A_100 = tpu.memref_slice %arg5[%add3A_98, %dma_start3A_99] : memref<32x800xi32, #tpu.memory_space<vmem>> -> memref<1x800xi32, #tpu.memory_space<vmem>>
        %dma_start3A_101 = tpu.memref_squeeze %dma_start3A_100 : memref<1x800xi32, #tpu.memory_space<vmem>> -> memref<800xi32, #tpu.memory_space<vmem>>
        %dma_start3A_102 = arith.constant 0 : i32
        %dma_start3A_103 = arith.constant 0 : i32
        %dma_start3A_104 = tpu.memref_slice %arg3[%dma_start3A_102, %dma_start3A_103] : memref<1000000x64xf32, #tpu.memory_space<hbm>> -> memref<1000000x64xf32, #tpu.memory_space<hbm>>
        tpu.enqueue_indirect_dma source(%dma_start3A_104 : memref<1000000x64xf32, #tpu.memory_space<hbm>>) target(%arg7 : memref<800x64xf32, #tpu.memory_space<vmem>>) offsets(%dma_start3A_101 : memref<800xi32, #tpu.memory_space<vmem>>) semaphore(%arg9 : memref<!tpu.dma_semaphore, #tpu.memory_space<semaphore_mem>>)
      } else {
      }
    }
    %scan3A_19 = arith.constant 16 : i32
    %dma_wait3A = arith.constant 0 : i32
    %dma_wait3A_20 = arith.constant 0 : i32
    %dma_wait3A_21 = tpu.memref_slice %arg4[%mul3A_2, %dma_wait3A, %dma_wait3A_20] : memref<1024x800x128xf32, #tpu.memory_space<hbm>> -> memref<1x800x64xf32, #tpu.memory_space<hbm>>
    %dma_wait3A_22 = tpu.memref_squeeze %dma_wait3A_21 : memref<1x800x64xf32, #tpu.memory_space<hbm>> -> memref<800x64xf32, #tpu.memory_space<hbm>>
    %dma_wait3A_23 = arith.constant 0 : i32
    %dma_wait3A_24 = arith.constant 0 : i32
    %dma_wait3A_25 = tpu.memref_slice %arg4[%mul3A_2, %dma_wait3A_23, %dma_wait3A_24] : memref<1024x800x128xf32, #tpu.memory_space<hbm>> -> memref<1x800x64xf32, #tpu.memory_space<hbm>>
    %dma_wait3A_26 = tpu.memref_squeeze %dma_wait3A_25 : memref<1x800x64xf32, #tpu.memory_space<hbm>> -> memref<800x64xf32, #tpu.memory_space<hbm>>
    tpu.wait_dma2 semaphore(%arg10 : memref<!tpu.dma_semaphore, #tpu.memory_space<semaphore_mem>>) src(%arg6 : memref<800x64xf32, #tpu.memory_space<vmem>>) dst(%dma_wait3A_26 : memref<800x64xf32, #tpu.memory_space<hbm>>)
    %dma_wait3A_27 = arith.constant 0 : i32
    %dma_wait3A_28 = arith.constant 0 : i32
    %dma_wait3A_29 = tpu.memref_slice %arg4[%mul3A_2, %dma_wait3A_27, %dma_wait3A_28] : memref<1024x800x128xf32, #tpu.memory_space<hbm>> -> memref<1x800x64xf32, #tpu.memory_space<hbm>>
    %dma_wait3A_30 = tpu.memref_squeeze %dma_wait3A_29 : memref<1x800x64xf32, #tpu.memory_space<hbm>> -> memref<800x64xf32, #tpu.memory_space<hbm>>
    %dma_wait3A_31 = arith.constant 0 : i32
    %dma_wait3A_32 = arith.constant 0 : i32
    %dma_wait3A_33 = tpu.memref_slice %arg4[%mul3A_2, %dma_wait3A_31, %dma_wait3A_32] : memref<1024x800x128xf32, #tpu.memory_space<hbm>> -> memref<1x800x64xf32, #tpu.memory_space<hbm>>
    %dma_wait3A_34 = tpu.memref_squeeze %dma_wait3A_33 : memref<1x800x64xf32, #tpu.memory_space<hbm>> -> memref<800x64xf32, #tpu.memory_space<hbm>>
    tpu.wait_dma2 semaphore(%arg11 : memref<!tpu.dma_semaphore, #tpu.memory_space<semaphore_mem>>) src(%arg7 : memref<800x64xf32, #tpu.memory_space<vmem>>) dst(%dma_wait3A_34 : memref<800x64xf32, #tpu.memory_space<hbm>>)
    return
  }
}

</mosaic_0001>

<sc_bundles>
// kernel: _gather.3.cloned.1.call-start
scs
__scs_entry_jumppad:
0x0: {  	(pc) =	sbr.rel $0x88, $3  }
0x1: {  	(tag) =	ssettag $0x0;
	lr =	simm.s32 $0x1  }
0x2: {  	[smem:$0x3F9F] =	sst lr;
	_ =	strace $0xD0000000  }
0x3: {  	_ = 	snop  }
0x4: {  	_ = 	snop  }
0x5: {  	_ = 	snop  }
0x6: {  	_ = 	snop  }
0x7: {  	_ = 	snop  }
__scs_overlays_trampoline_lowered:
0x8: {  	[smem:$0x3FAE] =	sst s0  }
0x9: {  	[smem:$0x3FAF] =	sst s1  }
0xa: {  	[smem:$0x3FB0] =	sst s2  }
0xb: {  	[smem:$0x3FB1] =	sst s3  }
0xc: {  	[smem:$0x3FB2] =	sst s4  }
0xd: {  	[smem:$0x3FB3] =	sst s5  }
0xe: {  	[smem:$0x3FB4] =	sst s6  }
0xf: {  	[smem:$0x3FB5] =	sst s7  }
0x10: {  	[smem:$0x3FB6] =	sst s8  }
0x11: {  	[smem:$0x3FB7] =	sst s9;
	s0 =	simm.s32 @!p0 $0x0  }
0x12: {  	s1 =	sld [smem:$0x3F9D];
	s0 =	simm.s32 @p0 $0x1  }
0x13: {  	[smem:$0x3FB8] =	sst s0;
	s0 =	simm.s32 @!p1 $0x0  }
0x14: {  	s2 =	sld [smem:$0x3F9C];
	s0 =	simm.s32 @p1 $0x1  }
0x15: {  	[smem:$0x3FB9] =	sst s0;
	s0 =	simm.s32 @!p2 $0x0  }
0x16: {  	s3 =	sld [smem:$0x3FDB];
	s0 =	simm.s32 @p2 $0x1  }
0x17: {  	s4 =	simm.s32 $0x1BF5;
	[smem:$0x3FBB] =	sst s0  }
0x18: {  	s0 =	sld [smem:$0x3F9E];
	_ =	swait.ge [sflag:s4], $0x0  }
0x19: {  	s7 =	sld [smem:$0x3F9F]  }
0x1a: {  	s8 =	sadd.s32 $0xFFFFE003, lr  }
0x1b: {  	s9 =	sadd.s32 $0xFFFFFEF7, lr;
	s5 =	simm.s32 $0xFFFFFFFF;
	p2 =	slt.u32 s8, $0xFFFFF086  }
0x1c: {  	p1 =	slt.u32 s9, $0xF7A;
	s5 =	simm.s32 @!p2 $0x0  }
0x1d: {  	s5 =	simm.s32 @p1 $0x1;
	p0 =	seq.s32 s7, s2  }
0x1e: {  	s7 =	smul.u32 @!p0 $0xF7A, s2;
	p2 =	seq.s32 @!p0 s5, $0x0  }
0x1f: {  	s9 =	smul.u32 $0xF7A, s1;
	s8 =	simm.s32 @!p0 $0x1BF5;
	p2 =	por !p2, p0  }
0x20: {  	[sflag:s8] =	ssyncset.s32 @!p0 $0xFFFFF086;
	s6 =	sadd.s32 @!p0 s3, s7;
	s7 =	simm.s32 @!p0 $0x108  }
0x21: {  	s3 =	sadd.s32 s3, s9;
	s6 =	sadd.s32 @!p0 $0x88, s6;
	s7 =	simm.s32 @p2 $0x1082  }
0x22: {  	[simem:s7], [sflag:s8] =	dma.local @!p0 [hbm:s6], $0xF7A  }
0x23: {  	s9 =	sor.u32 $0xD0000000, s2;
	s6 =	simm.s32 $0x108;
	_ =	swait.ge @!p0 [sflag:s8], $0x0  }
0x24: {  	s3 =	sadd.s32 $0x88, s3;
	s6 =	simm.s32 @!p1 $0x1082;
	[sflag:s4] =	ssyncset.s32 $0xFFFFF086  }
0x25: {  	[simem:s6], [sflag:s4] =	dma.local [hbm:s3], $0xF7A  }
0x26: {  	[smem:$0x3F9F] =	sst s1;
	(tag) =	ssettag s2;
	_ =	strace s9  }
0x27: {  	s1 =	sld [smem:$0x3FAF]  }
0x28: {  	s2 =	sld [smem:$0x3FB0]  }
0x29: {  	s4 =	sld [smem:$0x3FB2]  }
0x2a: {  	p0 =	seq.s32 s5, $0x0;
	s5 =	sld [smem:$0x3FB3]  }
0x2b: {  	s6 =	sld [smem:$0x3FB4]  }
0x2c: {  	s7 =	sld [smem:$0x3FB5]  }
0x2d: {  	s3 =	simm.s32 $0x108;
	s8 =	sld [smem:$0x3FB6]  }
0x2e: {  	s3 =	simm.s32 @!p0 $0x1082;
	s9 =	sld [smem:$0x3FB7]  }
0x2f: {  	lr =	sadd.s32 s0, s3;
	s0 =	sld [smem:$0x3FAE]  }
0x30: {  	s3 =	sld [smem:$0x3FB1]  }
0x31: {  	[smem:$0x3FBA] =	sst s10  }
0x32: {  	s10 =	sld [smem:$0x3FB8];
	_ =	sdelay $0x3  }
0x33: {  	p0 =	seq.s32 s10, $0x1;
	s10 =	sld [smem:$0x3FBA];
	_ =	sdelay $0x3  }
0x34: {  	[smem:$0x3FBA] =	sst s10  }
0x35: {  	s10 =	sld [smem:$0x3FB9];
	_ =	sdelay $0x3  }
0x36: {  	p1 =	seq.s32 s10, $0x1;
	s10 =	sld [smem:$0x3FBA];
	_ =	sdelay $0x3  }
0x37: {  	[smem:$0x3FBA] =	sst s10  }
0x38: {  	s10 =	sld [smem:$0x3FBB]  }
0x39: {  	_ = 	snop;
	(pc) =	sbr.ind lr, $3  }
0x3a: {  	_ = 	snop  }
0x3b: {  	_ = 	snop  }
0x3c: {  	p2 =	seq.s32 s10, $0x1;
	s10 =	sld [smem:$0x3FBA]  }
0x3d: {  	_ =	shalt  }
0x3e: {  	_ =	shalt  }
0x3f: {  	_ =	shalt  }
0x40: {  	_ =	shalt  }
0x41: {  	_ =	shalt  }
0x42: {  	_ =	shalt  }
0x43: {  	_ =	shalt  }
0x44: {  	_ =	shalt  }
0x45: {  	_ =	shalt  }
0x46: {  	_ =	shalt  }
0x47: {  	_ =	shalt  }
0x48: {  	_ =	shalt  }
0x49: {  	_ =	shalt  }
0x4a: {  	_ =	shalt  }
0x4b: {  	_ =	shalt  }
0x4c: {  	_ =	shalt  }
0x4d: {  	_ =	shalt  }
0x4e: {  	_ =	shalt  }
0x4f: {  	_ =	shalt  }
0x50: {  	_ =	shalt  }
0x51: {  	_ =	shalt  }
0x52: {  	_ =	shalt  }
0x53: {  	_ =	shalt  }
0x54: {  	_ =	shalt  }
0x55: {  	_ =	shalt  }
0x56: {  	_ =	shalt  }
0x57: {  	_ =	shalt  }
0x58: {  	_ =	shalt  }
0x59: {  	_ =	shalt  }
0x5a: {  	_ =	shalt  }
0x5b: {  	_ =	shalt  }
0x5c: {  	_ =	shalt  }
0x5d: {  	_ =	shalt  }
0x5e: {  	_ =	shalt  }
0x5f: {  	_ =	shalt  }
0x60: {  	_ =	shalt  }
0x61: {  	_ =	shalt  }
0x62: {  	_ =	shalt  }
0x63: {  	_ =	shalt  }
0x64: {  	_ =	shalt  }
0x65: {  	_ =	shalt  }
0x66: {  	_ =	shalt  }
0x67: {  	_ =	shalt  }
0x68: {  	_ =	shalt  }
0x69: {  	_ =	shalt  }
0x6a: {  	_ =	shalt  }
0x6b: {  	_ =	shalt  }
0x6c: {  	_ =	shalt  }
0x6d: {  	_ =	shalt  }
0x6e: {  	_ =	shalt  }
0x6f: {  	_ =	shalt  }
0x70: {  	_ =	shalt  }
0x71: {  	_ =	shalt  }
0x72: {  	_ =	shalt  }
0x73: {  	_ =	shalt  }
0x74: {  	_ =	shalt  }
0x75: {  	_ =	shalt  }
0x76: {  	_ =	shalt  }
0x77: {  	_ =	shalt  }
0x78: {  	_ =	shalt  }
0x79: {  	_ =	shalt  }
0x7a: {  	_ =	shalt  }
0x7b: {  	_ =	shalt  }
0x7c: {  	_ =	shalt  }
0x7d: {  	_ =	shalt  }
0x7e: {  	_ =	shalt  }
0x7f: {  	_ =	shalt  }
0x80: {  	_ =	shalt  }
0x81: {  	_ =	shalt  }
0x82: {  	_ =	shalt  }
0x83: {  	_ =	shalt  }
0x84: {  	_ =	shalt  }
0x85: {  	_ =	shalt  }
0x86: {  	_ =	shalt  }
0x87: {  	_ =	shalt  }
.Lfunc_end0:
.L_simem_size_0:
called_computation_lowered:
.L_overlay_start_0:
0x88: {  	s2 =	sld [smem:$0x3FD9]  }
0x89: {  	s3 =	sld [smem:$0x3FFE];
	_ =	sdelay $0x1  }
0x8a: {  	s1 =	srdreg.scid  }
0x8b: {  	s0 =	sand.u32 $0x1, s1  }
0x8c: {  	s17 =	sshll.u32 s0, $0xA;
	s2 =	sadd.s32 s3, s2  }
0x8d: {  	s2 =	sadd.s32 s2, s17  }
0x8e: {  	[smem:$0x3FC6] =	sst s2  }
0x8f: {  	_ = 	snop  }
0x90: {  	s2 =	sld [smem:$0x3FD0];
	(tm) =	ssettm $0x1  }
0x91: {  	s18 =	sld [smem:$0x3FFB];
	_ =	sdelay $0x3  }
0x92: {  	_ =	strace s18  }
0x93: {  	s3 =	sld [smem:$0x3FFC];
	_ =	sdelay $0x3  }
0x94: {  	_ =	strace s3  }
0x95: {  	s3 =	sld [smem:$0x3FFD];
	_ =	sdelay $0x3  }
0x96: {  	_ =	strace s3  }
0x97: {  	_ =	strace $0x8FFFFFFF  }
0x98: {  	s19 =	sld [smem:$0x3FDB];
	_ =	sdelay $0x1  }
0x99: {  	s4 =	simm.s32 $_scs_section_size  }
0x9a: {  	s5 =	simm.s32 $_size__tile_overlayer_lowered;
	s6 =	simm.s32 $_tile_overlayer_lowered  }
0x9b: {  	s22 =	simm.s32 $0x1BFF;
	s21 =	sshll.u32 s6, $0x1;
	s3 =	sadd.s32 s4, s19  }
0x9c: {  	s7 =	simm.s32 $0x0;
	s20 =	sshll.u32 s5, $0x1;
	s5 =	sadd.s32 s21, s3  }
0x9d: {  	[timem:s7], [sflag:s22] =	dma.local [hbm:s5], s20  }
0x9e: {  	_ =	swait.ge [sflag:s22], s20  }
0x9f: {  	s4 =	ssub.s32 $0x0, s20;
	[sflag:s22] =	ssyncset.done $0x0  }
0xa0: {  	[sflag:s22] =	ssyncadd.s32 s4;
	_ =	sdelay $0x1  }
0xa1: {  	s23 =	simm.s32 $0x1B8B  }
0xa2: {  	_ =	swait.ge [sflag:s23], $0x1  }
0xa3: {  	[sflag:s23] =	ssyncset.done $0x0  }
0xa4: {  	s25 =	simm.s32 $0x1B8E;
	s24 =	sld [smem:$0x3FFE];
	[sflag:s23] =	ssyncadd.s32 $0xFFFFFFFF  }
0xa5: {  	s26 =	simm.s32 $execute0_lowered;
	[smem:$0x3FD2] =	sst s25  }
0xa6: {  	s5 =	sshll.u32 s26, $0x1;
	_ =	strace $0x80000046;
	[dreg:$0x1] =	wrdreg $0xFFFFFFFF  }
0xa7: {  	s28 =	simm.s32 $_size_execute0_lowered;
	s3 =	sadd.s32 s3, s5;
	[dreg:$0x0] =	wrdreg $0x0  }
0xa8: {  	s5 =	sshll.u32 s28, $0x1;
	[dreg:$0x2] =	wrdreg s3  }
0xa9: {  	[dreg:$0x3] =	wrdreg s5  }
0xaa: {  	[dreg:$0x4] =	wrdreg $0xC0  }
0xab: {  	_ =	task [dreg:s7], $0x5FFFF  }
0xac: {  	[dreg:$0x1] =	wrdreg $0xFFFFFFFF  }
0xad: {  	[dreg:$0x0] =	wrdreg $0x60  }
0xae: {  	[dreg:$0x2] =	wrdreg s24  }
0xaf: {  	[dreg:$0x3] =	wrdreg s2  }
0xb0: {  	[dreg:$0x4] =	wrdreg $0x9  }
0xb1: {  	_ =	task.clear_ibuf [dreg:s7], $0x5FFFF;
	_ =	strace $0x90000046  }
0xb2: {  	s29 =	simm.s32 $0x9;
	_ =	strace $0x80000048  }
0xb3: {  	_ =	swait.ge [sflag:s29], $0x1  }
0xb4: {  	[sflag:s29] =	ssyncadd.s32 $0xFFFFFFFF  }
0xb5: {  	_ =	strace $0x90000048  }
0xb6: {  	_ =	sfence  }
0xb7: {  	s30 =	sld [smem:$0x0];
	_ =	sdelay $0x2  }
0xb8: {  	s31 =	sshll.u32 s1, $0xD;
	s1 =	sshrl.u32 s1, $0x2  }
0xb9: {  	s3 =	sand.u32 $0x4000, s31;
	s1 =	sadd.s32 s1, s30  }
0xba: {  	s0 =	sor.u32 s3, s0;
	s1 =	sshll.u32 s1, $0x11  }
0xbb: {  	s0 =	sor.u32 s1, s0  }
0xbc: {  	s0 =	sadd.s32 $0x8F2B, s0  }
0xbd: {  	[sflag:s0] =	ssyncadd.remote.s32 $0x1  }
0xbe: {  	_ =	sfence.sel $0xFFFF  }
0xbf: {  	[dreg:$0x0] =	wrdreg $0xFFFFFFFF;
	(pc) =	sbr.abs _section_cstart, $3  }
0xc0: {  	[dreg:$0x1] =	wrdreg $0xFFFFFFFF  }
0xc1: {  	_ =	task.clear_ibuf [dreg:s7], $0x2FFFF;
	_ =	strace $0x9FFFFFFF  }
0xc2: {  	(tm) =	ssettm $0x7FFFFFFF  }
0xc3: {  	_ =	shalt  }
tec
execute0_lowered:
.L_overlay_start_1:
0x0: {  	(tag) =	ssettag $0x1  }
0x1: {  	s1 =	srdreg.scid  }
0x2: {  	s0 =	stileid.u32;
	s3 =	rddreg [dreg:$0x0]  }
0x3: {  	s8 =	rddreg [dreg:$0x1];
	s11 =	simm.s32 $0x6400;
	s12 =	simm.s32 $0x12C00  }
0x4: {  	s13 =	simm.s32 $0x1;
	s14 =	simm.s32 $0x40;
	s15 =	simm.s32 $0x80  }
0x5: {  	s16 =	simm.s32 $0x3;
	s17 =	simm.s32 $0x2;
	s18 =	simm.s32 $0x4  }
0x6: {  	s19 =	simm.s32 $0x0;
	s6 =	sand.u32 $0x1, s1;
	s28 =	sshll.u32 s0, $0x6  }
0x7: {  	s1 =	rddreg [dreg:$0x2];
	s29 =	smul.u32 $0xC8000, s0;
	s2 =	sshll.u32 s6, $0x5  }
0x8: {  	s7 =	ssub.s32 $0x2, s6;
	s31 =	smul.u32 $0x64000, s6;
	s4 =	sor.u32 s2, s28  }
0x9: {  	s2 =	simm.s32 $0x0;
	s9 =	sshrl.u32 s7, $0x1;
	s5 =	smul.u32 $0x64, s4  }
0xa: {  	[smem:$0x7FF] =	sst s2;
	s10 =	smul.u32 $0x3200, s4;
	s7 =	ssub.s32 s7, s9  }
0xb: {  	s9 =	simm.s32 $0x5;
	_ =	strace $0x80000047;
	s5 =	sadd.s32 s5, s3  }
0xc: {  	s3 =	sadd.s32 $0xF42A00, s3;
	s30 =	sadd.s32 s8, s10;
	s8 =	sadd.s32 s29, s8  }
0xd: {  	s10 =	simm.s32 $0x320;
	s4 =	sadd.s32 $0x600, s5;
	s5 =	smax.u32 s7, $0x1  }
0xe: {  	s6 =	sadd.s32 $0x5DC00, s30;
	s7 =	sadd.s32 $0x60E00, s30;
	s8 =	sadd.s32 s31, s8  }
.LBB2_1:
0xf: {  	[tilespmem:s2], [sflag:$0x5] =	stream.linear.gather [hbm4b:s4+s2], $0x6400, $0x38;
	[tilespmem:$0x1F400] =	vst v63  }
0x10: {  	_ =	swait.ge [sflag:s9], $0x6400  }
0x11: {  	[sflag:s9] =	ssyncset.done $0x0  }
0x12: {  	[sflag:s9] =	ssyncadd.s32 $0xFFFF9C00  }
0x13: {  	[tilespmem:s11], [sflag:$0x1] =	stream.indirect.gather [hbm4b:s3+s10], $0x40, s2, s10, $0xb8;
	[tilespmem:$0x1F400] =	vst v63  }
0x14: {  	_ = 	snop  }
0x15: {  	[tilespmem:s12], [sflag:$0x2] =	stream.indirect.gather [hbm4b:s3+s10], $0x40, s10, s10, $0xb8;
	[tilespmem:$0x1F400] =	vst v63  }
0x16: {  	_ =	swait.ge [sflag:s13], $0xC800  }
0x17: {  	[sflag:s13] =	ssyncset.done $0x0  }
0x18: {  	s20 =	sadd.s32 $0x0, s8;
	[sflag:s13] =	ssyncadd.s32 $0xFFFF3800  }
0x19: {  	[hbm4b:s20+s14] =	stream.strided.scatter [tilespmem:s11], [sflag:$0x3], $0xC800, s15, s14, $0x38;
	[tilespmem:$0x1F400] =	vst v63  }
0x1a: {  	_ =	swait.ge [sflag:s16], $0xC800  }
0x1b: {  	[sflag:s16] =	ssyncset.done $0x0  }
0x1c: {  	s21 =	simm.s32 $0x640;
	[sflag:s16] =	ssyncadd.s32 $0xFFFF3800  }
0x1d: {  	[tilespmem:s11], [sflag:$0x1] =	stream.indirect.gather [hbm4b:s3+s10], $0x40, s21, s10, $0xb8;
	[tilespmem:$0x1F400] =	vst v63  }
0x1e: {  	_ =	swait.ge [sflag:s17], $0xC800  }
0x1f: {  	[sflag:s17] =	ssyncset.done $0x0  }
0x20: {  	s20 =	sadd.s32 $0x3200, s20;
	[sflag:s17] =	ssyncadd.s32 $0xFFFF3800  }
0x21: {  	[hbm4b:s20+s14] =	stream.strided.scatter [tilespmem:s12], [sflag:$0x4], $0xC800, s15, s14, $0x38;
	[tilespmem:$0x1F400] =	vst v63  }
0x22: {  	_ =	swait.ge [sflag:s18], $0xC800  }
0x23: {  	s22 =	simm.s32 $0xFA0;
	[sflag:s18] =	ssyncset.done $0x0  }
0x24: {  	s21 =	simm.s32 $0x6400;
	s20 =	simm.s32 $0x960;
	[sflag:s18] =	ssyncadd.s32 $0xFFFF3800  }
.LBB2_2:
0x25: {  	[tilespmem:s12], [sflag:$0x2] =	stream.indirect.gather [hbm4b:s3+s10], $0x40, s20, s10, $0xb8;
	[tilespmem:$0x1F400] =	vst v63  }
0x26: {  	s23 =	smov.u32 s21;
	s20 =	smov.u32 s22  }
0x27: {  	p0 =	sne.s32 s21, $0x57800;
	s21 =	sadd.s32 $0x6400, s21;
	_ =	swait.ge [sflag:s13], $0xC800  }
0x28: {  	[sflag:s13] =	ssyncset.done $0x0  }
0x29: {  	s23 =	sadd.s32 s23, s8;
	[sflag:s13] =	ssyncadd.s32 $0xFFFF3800  }
0x2a: {  	[hbm4b:s23+s14] =	stream.strided.scatter [tilespmem:s11], [sflag:$0x3], $0xC800, s15, s14, $0x38;
	[tilespmem:$0x1F400] =	vst v63  }
0x2b: {  	_ =	swait.ge [sflag:s16], $0xC800  }
0x2c: {  	[sflag:s16] =	ssyncset.done $0x0  }
0x2d: {  	s24 =	sadd.s32 $0xFFFFFCE0, s22;
	[sflag:s16] =	ssyncadd.s32 $0xFFFF3800  }
0x2e: {  	[tilespmem:s11], [sflag:$0x1] =	stream.indirect.gather [hbm4b:s3+s10], $0x40, s24, s10, $0xb8;
	[tilespmem:$0x1F400] =	vst v63  }
0x2f: {  	_ =	swait.ge [sflag:s17], $0xC800  }
0x30: {  	[sflag:s17] =	ssyncset.done $0x0  }
.Ltmp0:
0x31: {  	s23 =	sadd.s32 $0x3200, s23;
	[sflag:s17] =	ssyncadd.s32 $0xFFFF3800;
	(pc) =	sbr.rel @p0 .LBB2_2-.Ltmp0, $4  }
0x32: {  	[hbm4b:s23+s14] =	stream.strided.scatter [tilespmem:s12], [sflag:$0x4], $0xC800, s15, s14, $0x38;
	[tilespmem:$0x1F400] =	vst v63  }
0x33: {  	_ =	swait.ge [sflag:s18], $0xC800  }
0x34: {  	[sflag:s18] =	ssyncset.done $0x0  }
0x35: {  	s22 =	sadd.s32 $0x640, s22;
	[sflag:s18] =	ssyncadd.s32 $0xFFFF3800  }
0x36: {  	[tilespmem:s12], [sflag:$0x2] =	stream.indirect.gather [hbm4b:s3+s10], $0x40, s20, s10, $0xb8;
	[tilespmem:$0x1F400] =	vst v63  }
0x37: {  	_ =	swait.ge [sflag:s13], $0xC800  }
0x38: {  	[sflag:s13] =	ssyncset.done $0x0  }
0x39: {  	[sflag:s13] =	ssyncadd.s32 $0xFFFF3800  }
0x3a: {  	[hbm4b:s6+s14] =	stream.strided.scatter [tilespmem:s11], [sflag:$0x3], $0xC800, s15, s14, $0x38;
	[tilespmem:$0x1F400] =	vst v63  }
0x3b: {  	_ =	swait.ge [sflag:s17], $0xC800  }
0x3c: {  	[sflag:s17] =	ssyncset.done $0x0  }
0x3d: {  	s19 =	sadd.s32 $0x1, s19;
	[sflag:s17] =	ssyncadd.s32 $0xFFFF3800  }
0x3e: {  	[hbm4b:s7+s14] =	stream.strided.scatter [tilespmem:s12], [sflag:$0x4], $0xC800, s15, s14, $0x38;
	[tilespmem:$0x1F400] =	vst v63  }
0x3f: {  	p0 =	sne.s32 s19, s5;
	_ =	swait.ge [sflag:s16], $0xC800  }
.Ltmp1:
0x40: {  	[sflag:s16] =	ssyncset.done $0x0;
	(pc) =	sbr.rel @p0 .LBB2_1-.Ltmp1, $4  }
0x41: {  	[sflag:s16] =	ssyncadd.s32 $0xFFFF3800  }
0x42: {  	_ =	swait.ge [sflag:s18], $0xC800  }
0x43: {  	[sflag:s18] =	ssyncset.done $0x0  }
0x44: {  	[sflag:s18] =	ssyncadd.s32 $0xFFFF3800  }
0x45: {  	_ =	sfence.sel $0x180000  }
0x46: {  	[bflag:$0x0] =	sbarrier.arrive $0xFFFF  }
0x47: {  	p0 =	sne.s32 s0, $0x0;
	_ =	strace $0x90000047  }
0x48: {  	s0 =	sadd.s32 @!p0 $0x100000, s1;
	[bflag:$0x2] =	sbarrier.arrive $0xFFFF  }
0x49: {  	[sflag:s0] =	ssyncadd.tile.s32 @!p0 $0x1;
	_ =	shalt  }
.Lfunc_end2:
_tile_overlayer_lowered:
.L_overlay_start_2:
0x4a: {  	(tag) =	ssettag $0x2  }
0x4b: {  	s0 =	rddreg [dreg:$0x0];
	s2 =	stileid.u32  }
0x4c: {  	s1 =	rddreg [dreg:$0x1];
	p0 =	sne.s32 s2, $0x0  }
0x4d: {  	s3 =	rddreg [dreg:$0x2];
	[bflag:$0x3] =	sbarrier.arrive $0xFFFF;
	s2 =	simm.s32 @!p0 $0x1C05  }
0x4e: {  	[timem:s3], [sflag:s2] =	dma.local @!p0 [hbm:s0], s1  }
0x4f: {  	s0 =	simm.s32 @!p0 $0x5  }
0x50: {  	_ =	swait.ge @!p0 [sflag:s0], s1  }
0x51: {  	s1 =	ssub.s32 @!p0 $0x0, s1;
	[sflag:s0] =	ssyncset.done @!p0 $0x0  }
0x52: {  	[sflag:s0] =	ssyncadd.s32 @!p0 s1  }
0x53: {  	[bflag:$0x3] =	sbarrier.arrive $0xFFFF  }
0x54: {  	_ =	shalt  }

</sc_bundles>
